<compile_context>
chip_gen: v7x
topology: tpu7x:2x2x1
jax: 0.10.2.dev20260603
libtpu: 0.0.44.dev20260713+nightly
codegen_flags: <defaults>
</compile_context>

<pallas_src>
import functools

import jax
import jax.numpy as jnp
from jax import lax
from jax.experimental import pallas as pl
from jax.experimental.pallas import tpu as pltpu
from jax.experimental.pallas import tpu_sc as plsc

_N = 26
_K = 100000
_B = 16384
_NC = 2
_LANES = 16
_CH = 4096
_NCH = _B // _CH
_CK = 25088
_NBK = -(-_K // _CK)


def _sc_gather_body(p_hbm, idx_hbm, out_hbm, row_v, i0, i1, i2, i3, g0, g1,
                    sem_row, sem_i0, sem_i1, sem_i2, sem_i3, sem_o0, sem_o1):
    wid = lax.axis_index("s") * _NC + lax.axis_index("c")

    @pl.when(wid < _N)
    def _():
        idx_bufs = (i0, i1, i2, i3)
        g_bufs = (g0, g1)
        isems = (sem_i0, sem_i1, sem_i2, sem_i3)
        osems = (sem_o0, sem_o1)

        row_cp = pltpu.async_copy(p_hbm.at[wid], row_v, sem_row)
        icps = [
            pltpu.async_copy(
                idx_hbm.at[wid, pl.ds(c * _CH, _CH)], idx_bufs[c], isems[c])
            for c in range(_NCH)
        ]
        row_cp.wait()

        ocps = [None, None]
        for c in range(_NCH):
            b = c % 2
            icps[c].wait()
            if ocps[b] is not None:
                ocps[b].wait()

            def _gather(ib, gb):
                @plsc.parallel_loop(0, _CH, _LANES, unroll=8)
                def _g(i):
                    sl = pl.ds(i, _LANES)
                    gb[sl] = plsc.load_gather(row_v, [ib[sl]])

            _gather(idx_bufs[c], g_bufs[b])
            ocps[b] = pltpu.async_copy(
                g_bufs[b], out_hbm.at[wid, pl.ds(c * _CH, _CH)], osems[b])
        ocps[0].wait()
        ocps[1].wait()


@functools.lru_cache(maxsize=None)
def _sc_gather():
  return functools.partial(
    pl.kernel,
    out_type=jax.ShapeDtypeStruct((_N, _B), jnp.float32),
    mesh=plsc.VectorSubcoreMesh(core_axis_name="c", subcore_axis_name="s"),
    compiler_params=pltpu.CompilerParams(needs_layout_passes=False),
    scratch_types=[
        pltpu.VMEM((_K,), jnp.float32),
        pltpu.VMEM((_CH,), jnp.int32),
        pltpu.VMEM((_CH,), jnp.int32),
        pltpu.VMEM((_CH,), jnp.int32),
        pltpu.VMEM((_CH,), jnp.int32),
        pltpu.VMEM((_CH,), jnp.float32),
        pltpu.VMEM((_CH,), jnp.float32),
        pltpu.SemaphoreType.DMA,
        pltpu.SemaphoreType.DMA,
        pltpu.SemaphoreType.DMA,
        pltpu.SemaphoreType.DMA,
        pltpu.SemaphoreType.DMA,
        pltpu.SemaphoreType.DMA,
        pltpu.SemaphoreType.DMA,
    ],
  )(_sc_gather_body)


def _tc_sum_body(p_ref, s_ref):
    i = pl.program_id(0)

    @pl.when(i == 0)
    def _():
        s_ref[...] = jnp.zeros_like(s_ref)

    x = p_ref[...]
    col = i * _CK + lax.broadcasted_iota(jnp.int32, x.shape, 1)
    sig = jnp.where(col < _K, jax.nn.sigmoid(x), 0.0)
    part = jnp.sum(sig, axis=1, keepdims=True)
    s_ref[...] += jnp.broadcast_to(part, s_ref.shape)


def _tc_finish_body(g_ref, s_ref, o_ref):
    s = s_ref[:, 0:1]
    o_ref[...] = jnp.log(jax.nn.sigmoid(g_ref[...]) / s)


def kernel(data, p_aux):
    idx_t = data.T
    s = pl.pallas_call(
        _tc_sum_body,
        grid=(_NBK,),
        in_specs=[pl.BlockSpec((_N, _CK), lambda i: (0, i))],
        out_specs=pl.BlockSpec((_N, 128), lambda i: (0, 0)),
        out_shape=jax.ShapeDtypeStruct((_N, 128), jnp.float32),
    )(p_aux)
    g_t = _sc_gather()(p_aux, idx_t)
    out_t = pl.pallas_call(
        _tc_finish_body,
        out_shape=jax.ShapeDtypeStruct((_N, _B), jnp.float32),
    )(g_t, s)
    return out_t.T

# --- scband reference (transcript-rebuilt; emitter-appended) ---
"""Pipeline reference for scband-categorical-layer-83966610637116 (READ-ONLY COPY).

The authoritative reference and input builder live on the scoring server;
editing this copy changes nothing except your own understanding.
"""

import jax, jax.numpy as jnp
import numpy as np

N_OUT = 26
K = 100000
BATCH = 16384


def setup_inputs(seed: int = 0) -> dict:
    key = jax.random.key(seed)
    k1, k2 = jax.random.split(key)
    data = jax.random.randint(k1, (BATCH, N_OUT), 0, K, dtype=jnp.int64 if jax.config.jax_enable_x64 else jnp.int32).astype(jnp.int32)
    # unbounded auxiliary parameters, one probability row per node
    p_aux = jax.random.normal(k2, (N_OUT, K), dtype=jnp.float32)
    return {"data": data, "p_aux": p_aux}


def reference(data, p_aux):
    # proj_real_to_bounded with lb=0, ub=1 is the sigmoid
    p = jax.nn.sigmoid(p_aux)                      # [N_OUT, K]
    # torch.distributions.Categorical normalizes probs along last dim
    p = p / jnp.sum(p, axis=-1, keepdims=True)
    logp = jnp.log(p)                              # [N_OUT, K]
    # log-likelihood gather: out[b, j] = logp[j, data[b, j]]
    node_idx = jnp.arange(N_OUT)[None, :]          # [1, N_OUT]
    out = logp[node_idx, data]                     # [BATCH, N_OUT]
    return out

if __name__ == "__main__":
    import jax
    _d = setup_inputs()
    print(jax.jit(kernel)(*tuple(_d.values())))

</pallas_src>

<mosaic_0001>
#map = affine_map<(d0, d1) -> (0, 0)>
module attributes {stable_mosaic.version = 14 : i64} {
  func.func @_sc_gather_body(%arg0: i32, %arg1: i32, %arg2: memref<26x100000xf32, #tpu.memory_space<hbm>>, %arg3: memref<26x16384xi32, #tpu.memory_space<hbm>>, %arg4: memref<26x16384xf32, #tpu.memory_space<hbm>>, %arg5: memref<100000xf32, #tpu.memory_space<vmem>>, %arg6: memref<4096xi32, #tpu.memory_space<vmem>>, %arg7: memref<4096xi32, #tpu.memory_space<vmem>>, %arg8: memref<4096xi32, #tpu.memory_space<vmem>>, %arg9: memref<4096xi32, #tpu.memory_space<vmem>>, %arg10: memref<4096xf32, #tpu.memory_space<vmem>>, %arg11: memref<4096xf32, #tpu.memory_space<vmem>>, %arg12: memref<!tpu.dma_semaphore, #tpu.memory_space<semaphore_mem>>, %arg13: memref<!tpu.dma_semaphore, #tpu.memory_space<semaphore_mem>>, %arg14: memref<!tpu.dma_semaphore, #tpu.memory_space<semaphore_mem>>, %arg15: memref<!tpu.dma_semaphore, #tpu.memory_space<semaphore_mem>>, %arg16: memref<!tpu.dma_semaphore, #tpu.memory_space<semaphore_mem>>, %arg17: memref<!tpu.dma_semaphore, #tpu.memory_space<semaphore_mem>>, %arg18: memref<!tpu.dma_semaphore, #tpu.memory_space<semaphore_mem>>) attributes {dimension_semantics = [#tpu.dimension_semantics<core_parallel>, #tpu.dimension_semantics<subcore_parallel>], iteration_bounds = array<i64: 2, 16>, scalar_prefetch = 0 : i64, scratch_operands = 14 : i64, tpu.core_type = #tpu.core_type<sc_vector_subcore>, window_params = [{transform_indices = #map}, {transform_indices = #map}, {transform_indices = #map}]} {
    %mul3A = arith.constant 2 : i32
    %mul3A_0 = arith.muli %arg1, %mul3A : i32
    %add3A = arith.addi %mul3A_0, %arg0 : i32
    %lt3A = arith.constant 26 : i32
    %lt3A_1 = arith.cmpi slt, %add3A, %lt3A : i32
    %convert_element_type3A = arith.extui %lt3A_1 : i1 to i32
    %cond3A = arith.constant 0 : i32
    %cond3A_2 = arith.cmpi ne, %convert_element_type3A, %cond3A : i32
    scf.if %cond3A_2 {
      %dma_start3A = arith.constant 0 : i32
      %dma_start3A_3 = tpu.memref_slice %arg2[%add3A, %dma_start3A] : memref<26x100000xf32, #tpu.memory_space<hbm>> -> memref<1x100000xf32, #tpu.memory_space<hbm>>
      %dma_start3A_4 = tpu.memref_squeeze %dma_start3A_3 : memref<1x100000xf32, #tpu.memory_space<hbm>> -> memref<100000xf32, #tpu.memory_space<hbm>>
      %dma_start3A_5 = arith.constant 0 : i32
      %dma_start3A_6 = tpu.memref_slice %arg2[%add3A, %dma_start3A_5] : memref<26x100000xf32, #tpu.memory_space<hbm>> -> memref<1x100000xf32, #tpu.memory_space<hbm>>
      %dma_start3A_7 = tpu.memref_squeeze %dma_start3A_6 : memref<1x100000xf32, #tpu.memory_space<hbm>> -> memref<100000xf32, #tpu.memory_space<hbm>>
      tpu.enqueue_dma source(%dma_start3A_7 : memref<100000xf32, #tpu.memory_space<hbm>>) target(%arg5 : memref<100000xf32, #tpu.memory_space<vmem>>) target_semaphore(%arg12 : memref<!tpu.dma_semaphore, #tpu.memory_space<semaphore_mem>>)
      %dma_start3A_8 = arith.constant 0 : i32
      %dma_start3A_9 = tpu.memref_slice %arg3[%add3A, %dma_start3A_8] : memref<26x16384xi32, #tpu.memory_space<hbm>> -> memref<1x4096xi32, #tpu.memory_space<hbm>>
      %dma_start3A_10 = tpu.memref_squeeze %dma_start3A_9 : memref<1x4096xi32, #tpu.memory_space<hbm>> -> memref<4096xi32, #tpu.memory_space<hbm>>
      %dma_start3A_11 = arith.constant 0 : i32
      %dma_start3A_12 = tpu.memref_slice %arg3[%add3A, %dma_start3A_11] : memref<26x16384xi32, #tpu.memory_space<hbm>> -> memref<1x4096xi32, #tpu.memory_space<hbm>>
      %dma_start3A_13 = tpu.memref_squeeze %dma_start3A_12 : memref<1x4096xi32, #tpu.memory_space<hbm>> -> memref<4096xi32, #tpu.memory_space<hbm>>
      tpu.enqueue_dma source(%dma_start3A_13 : memref<4096xi32, #tpu.memory_space<hbm>>) target(%arg6 : memref<4096xi32, #tpu.memory_space<vmem>>) target_semaphore(%arg13 : memref<!tpu.dma_semaphore, #tpu.memory_space<semaphore_mem>>)
      %dma_start3A_14 = arith.constant 4096 : i32
      %dma_start3A_15 = tpu.memref_slice %arg3[%add3A, %dma_start3A_14] : memref<26x16384xi32, #tpu.memory_space<hbm>> -> memref<1x4096xi32, #tpu.memory_space<hbm>>
      %dma_start3A_16 = tpu.memref_squeeze %dma_start3A_15 : memref<1x4096xi32, #tpu.memory_space<hbm>> -> memref<4096xi32, #tpu.memory_space<hbm>>
      %dma_start3A_17 = arith.constant 4096 : i32
      %dma_start3A_18 = tpu.memref_slice %arg3[%add3A, %dma_start3A_17] : memref<26x16384xi32, #tpu.memory_space<hbm>> -> memref<1x4096xi32, #tpu.memory_space<hbm>>
      %dma_start3A_19 = tpu.memref_squeeze %dma_start3A_18 : memref<1x4096xi32, #tpu.memory_space<hbm>> -> memref<4096xi32, #tpu.memory_space<hbm>>
      tpu.enqueue_dma source(%dma_start3A_19 : memref<4096xi32, #tpu.memory_space<hbm>>) target(%arg7 : memref<4096xi32, #tpu.memory_space<vmem>>) target_semaphore(%arg14 : memref<!tpu.dma_semaphore, #tpu.memory_space<semaphore_mem>>)
      %dma_start3A_20 = arith.constant 8192 : i32
      %dma_start3A_21 = tpu.memref_slice %arg3[%add3A, %dma_start3A_20] : memref<26x16384xi32, #tpu.memory_space<hbm>> -> memref<1x4096xi32, #tpu.memory_space<hbm>>
      %dma_start3A_22 = tpu.memref_squeeze %dma_start3A_21 : memref<1x4096xi32, #tpu.memory_space<hbm>> -> memref<4096xi32, #tpu.memory_space<hbm>>
      %dma_start3A_23 = arith.constant 8192 : i32
      %dma_start3A_24 = tpu.memref_slice %arg3[%add3A, %dma_start3A_23] : memref<26x16384xi32, #tpu.memory_space<hbm>> -> memref<1x4096xi32, #tpu.memory_space<hbm>>
      %dma_start3A_25 = tpu.memref_squeeze %dma_start3A_24 : memref<1x4096xi32, #tpu.memory_space<hbm>> -> memref<4096xi32, #tpu.memory_space<hbm>>
      tpu.enqueue_dma source(%dma_start3A_25 : memref<4096xi32, #tpu.memory_space<hbm>>) target(%arg8 : memref<4096xi32, #tpu.memory_space<vmem>>) target_semaphore(%arg15 : memref<!tpu.dma_semaphore, #tpu.memory_space<semaphore_mem>>)
      %dma_start3A_26 = arith.constant 12288 : i32
      %dma_start3A_27 = tpu.memref_slice %arg3[%add3A, %dma_start3A_26] : memref<26x16384xi32, #tpu.memory_space<hbm>> -> memref<1x4096xi32, #tpu.memory_space<hbm>>
      %dma_start3A_28 = tpu.memref_squeeze %dma_start3A_27 : memref<1x4096xi32, #tpu.memory_space<hbm>> -> memref<4096xi32, #tpu.memory_space<hbm>>
      %dma_start3A_29 = arith.constant 12288 : i32
      %dma_start3A_30 = tpu.memref_slice %arg3[%add3A, %dma_start3A_29] : memref<26x16384xi32, #tpu.memory_space<hbm>> -> memref<1x4096xi32, #tpu.memory_space<hbm>>
      %dma_start3A_31 = tpu.memref_squeeze %dma_start3A_30 : memref<1x4096xi32, #tpu.memory_space<hbm>> -> memref<4096xi32, #tpu.memory_space<hbm>>
      tpu.enqueue_dma source(%dma_start3A_31 : memref<4096xi32, #tpu.memory_space<hbm>>) target(%arg9 : memref<4096xi32, #tpu.memory_space<vmem>>) target_semaphore(%arg16 : memref<!tpu.dma_semaphore, #tpu.memory_space<semaphore_mem>>)
      %dma_wait3A = arith.constant 0 : i32
      %dma_wait3A_32 = tpu.memref_slice %arg2[%add3A, %dma_wait3A] : memref<26x100000xf32, #tpu.memory_space<hbm>> -> memref<1x100000xf32, #tpu.memory_space<hbm>>
      %dma_wait3A_33 = tpu.memref_squeeze %dma_wait3A_32 : memref<1x100000xf32, #tpu.memory_space<hbm>> -> memref<100000xf32, #tpu.memory_space<hbm>>
      %dma_wait3A_34 = arith.constant 0 : i32
      %dma_wait3A_35 = tpu.memref_slice %arg2[%add3A, %dma_wait3A_34] : memref<26x100000xf32, #tpu.memory_space<hbm>> -> memref<1x100000xf32, #tpu.memory_space<hbm>>
      %dma_wait3A_36 = tpu.memref_squeeze %dma_wait3A_35 : memref<1x100000xf32, #tpu.memory_space<hbm>> -> memref<100000xf32, #tpu.memory_space<hbm>>
      tpu.wait_dma2 semaphore(%arg12 : memref<!tpu.dma_semaphore, #tpu.memory_space<semaphore_mem>>) src(%dma_wait3A_36 : memref<100000xf32, #tpu.memory_space<hbm>>) dst(%arg5 : memref<100000xf32, #tpu.memory_space<vmem>>)
      %dma_wait3A_37 = arith.constant 0 : i32
      %dma_wait3A_38 = tpu.memref_slice %arg3[%add3A, %dma_wait3A_37] : memref<26x16384xi32, #tpu.memory_space<hbm>> -> memref<1x4096xi32, #tpu.memory_space<hbm>>
      %dma_wait3A_39 = tpu.memref_squeeze %dma_wait3A_38 : memref<1x4096xi32, #tpu.memory_space<hbm>> -> memref<4096xi32, #tpu.memory_space<hbm>>
      %dma_wait3A_40 = arith.constant 0 : i32
      %dma_wait3A_41 = tpu.memref_slice %arg3[%add3A, %dma_wait3A_40] : memref<26x16384xi32, #tpu.memory_space<hbm>> -> memref<1x4096xi32, #tpu.memory_space<hbm>>
      %dma_wait3A_42 = tpu.memref_squeeze %dma_wait3A_41 : memref<1x4096xi32, #tpu.memory_space<hbm>> -> memref<4096xi32, #tpu.memory_space<hbm>>
      tpu.wait_dma2 semaphore(%arg13 : memref<!tpu.dma_semaphore, #tpu.memory_space<semaphore_mem>>) src(%dma_wait3A_42 : memref<4096xi32, #tpu.memory_space<hbm>>) dst(%arg6 : memref<4096xi32, #tpu.memory_space<vmem>>)
      %parallel_loop3A = arith.constant 0 : i32
      %parallel_loop3A_43 = arith.constant 4096 : i32
      %parallel_loop3A_44 = arith.constant 16 : i32
      scf.for %parallel_loop3A_120 = %parallel_loop3A to %parallel_loop3A_43 step %parallel_loop3A_44  : i32 {
        %parallel_loop3A_121 = arith.index_cast %parallel_loop3A_120 : i32 to index
        %parallel_loop3A_122 = tpu.vector_load %arg6[%parallel_loop3A_121] {strides = array<i32>} : memref<4096xi32, #tpu.memory_space<vmem>>, vector<16xi32>,
        %parallel_loop3A_123 = tpu.vector_load_idx %arg5[%parallel_loop3A_122] : memref<100000xf32, #tpu.memory_space<vmem>>[vector<16xi32>], vector<16xf32>,
        %parallel_loop3A_124 = arith.index_cast %parallel_loop3A_120 : i32 to index
        %parallel_loop3A_125 = tpu.vector_load %arg10[%parallel_loop3A_124] {strides = array<i32>} : memref<4096xf32, #tpu.memory_space<vmem>>, vector<16xf32>,
        tpu.vector_store %arg10[%parallel_loop3A_124], %parallel_loop3A_123 {strides = array<i32>} : memref<4096xf32, #tpu.memory_space<vmem>>, vector<16xf32>,
      } {sc.loop_unroll_factor = 8 : i64, sc.parallel_access}
      %dma_start3A_45 = arith.constant 0 : i32
      %dma_start3A_46 = tpu.memref_slice %arg4[%add3A, %dma_start3A_45] : memref<26x16384xf32, #tpu.memory_space<hbm>> -> memref<1x4096xf32, #tpu.memory_space<hbm>>
      %dma_start3A_47 = tpu.memref_squeeze %dma_start3A_46 : memref<1x4096xf32, #tpu.memory_space<hbm>> -> memref<4096xf32, #tpu.memory_space<hbm>>
      %dma_start3A_48 = arith.constant 0 : i32
      %dma_start3A_49 = tpu.memref_slice %arg4[%add3A, %dma_start3A_48] : memref<26x16384xf32, #tpu.memory_space<hbm>> -> memref<1x4096xf32, #tpu.memory_space<hbm>>
      %dma_start3A_50 = tpu.memref_squeeze %dma_start3A_49 : memref<1x4096xf32, #tpu.memory_space<hbm>> -> memref<4096xf32, #tpu.memory_space<hbm>>
      tpu.enqueue_dma source(%arg10 : memref<4096xf32, #tpu.memory_space<vmem>>) target(%dma_start3A_50 : memref<4096xf32, #tpu.memory_space<hbm>>) target_semaphore(%arg17 : memref<!tpu.dma_semaphore, #tpu.memory_space<semaphore_mem>>)
      %dma_wait3A_51 = arith.constant 4096 : i32
      %dma_wait3A_52 = tpu.memref_slice %arg3[%add3A, %dma_wait3A_51] : memref<26x16384xi32, #tpu.memory_space<hbm>> -> memref<1x4096xi32, #tpu.memory_space<hbm>>
      %dma_wait3A_53 = tpu.memref_squeeze %dma_wait3A_52 : memref<1x4096xi32, #tpu.memory_space<hbm>> -> memref<4096xi32, #tpu.memory_space<hbm>>
      %dma_wait3A_54 = arith.constant 4096 : i32
      %dma_wait3A_55 = tpu.memref_slice %arg3[%add3A, %dma_wait3A_54] : memref<26x16384xi32, #tpu.memory_space<hbm>> -> memref<1x4096xi32, #tpu.memory_space<hbm>>
      %dma_wait3A_56 = tpu.memref_squeeze %dma_wait3A_55 : memref<1x4096xi32, #tpu.memory_space<hbm>> -> memref<4096xi32, #tpu.memory_space<hbm>>
      tpu.wait_dma2 semaphore(%arg14 : memref<!tpu.dma_semaphore, #tpu.memory_space<semaphore_mem>>) src(%dma_wait3A_56 : memref<4096xi32, #tpu.memory_space<hbm>>) dst(%arg7 : memref<4096xi32, #tpu.memory_space<vmem>>)
      %parallel_loop3A_57 = arith.constant 0 : i32
      %parallel_loop3A_58 = arith.constant 4096 : i32
      %parallel_loop3A_59 = arith.constant 16 : i32
      scf.for %parallel_loop3A_120 = %parallel_loop3A_57 to %parallel_loop3A_58 step %parallel_loop3A_59  : i32 {
        %parallel_loop3A_121 = arith.index_cast %parallel_loop3A_120 : i32 to index
        %parallel_loop3A_122 = tpu.vector_load %arg7[%parallel_loop3A_121] {strides = array<i32>} : memref<4096xi32, #tpu.memory_space<vmem>>, vector<16xi32>,
        %parallel_loop3A_123 = tpu.vector_load_idx %arg5[%parallel_loop3A_122] : memref<100000xf32, #tpu.memory_space<vmem>>[vector<16xi32>], vector<16xf32>,
        %parallel_loop3A_124 = arith.index_cast %parallel_loop3A_120 : i32 to index
        %parallel_loop3A_125 = tpu.vector_load %arg11[%parallel_loop3A_124] {strides = array<i32>} : memref<4096xf32, #tpu.memory_space<vmem>>, vector<16xf32>,
        tpu.vector_store %arg11[%parallel_loop3A_124], %parallel_loop3A_123 {strides = array<i32>} : memref<4096xf32, #tpu.memory_space<vmem>>, vector<16xf32>,
      } {sc.loop_unroll_factor = 8 : i64, sc.parallel_access}
      %dma_start3A_60 = arith.constant 4096 : i32
      %dma_start3A_61 = tpu.memref_slice %arg4[%add3A, %dma_start3A_60] : memref<26x16384xf32, #tpu.memory_space<hbm>> -> memref<1x4096xf32, #tpu.memory_space<hbm>>
      %dma_start3A_62 = tpu.memref_squeeze %dma_start3A_61 : memref<1x4096xf32, #tpu.memory_space<hbm>> -> memref<4096xf32, #tpu.memory_space<hbm>>
      %dma_start3A_63 = arith.constant 4096 : i32
      %dma_start3A_64 = tpu.memref_slice %arg4[%add3A, %dma_start3A_63] : memref<26x16384xf32, #tpu.memory_space<hbm>> -> memref<1x4096xf32, #tpu.memory_space<hbm>>
      %dma_start3A_65 = tpu.memref_squeeze %dma_start3A_64 : memref<1x4096xf32, #tpu.memory_space<hbm>> -> memref<4096xf32, #tpu.memory_space<hbm>>
      tpu.enqueue_dma source(%arg11 : memref<4096xf32, #tpu.memory_space<vmem>>) target(%dma_start3A_65 : memref<4096xf32, #tpu.memory_space<hbm>>) target_semaphore(%arg18 : memref<!tpu.dma_semaphore, #tpu.memory_space<semaphore_mem>>)
      %dma_wait3A_66 = arith.constant 8192 : i32
      %dma_wait3A_67 = tpu.memref_slice %arg3[%add3A, %dma_wait3A_66] : memref<26x16384xi32, #tpu.memory_space<hbm>> -> memref<1x4096xi32, #tpu.memory_space<hbm>>
      %dma_wait3A_68 = tpu.memref_squeeze %dma_wait3A_67 : memref<1x4096xi32, #tpu.memory_space<hbm>> -> memref<4096xi32, #tpu.memory_space<hbm>>
      %dma_wait3A_69 = arith.constant 8192 : i32
      %dma_wait3A_70 = tpu.memref_slice %arg3[%add3A, %dma_wait3A_69] : memref<26x16384xi32, #tpu.memory_space<hbm>> -> memref<1x4096xi32, #tpu.memory_space<hbm>>
      %dma_wait3A_71 = tpu.memref_squeeze %dma_wait3A_70 : memref<1x4096xi32, #tpu.memory_space<hbm>> -> memref<4096xi32, #tpu.memory_space<hbm>>
      tpu.wait_dma2 semaphore(%arg15 : memref<!tpu.dma_semaphore, #tpu.memory_space<semaphore_mem>>) src(%dma_wait3A_71 : memref<4096xi32, #tpu.memory_space<hbm>>) dst(%arg8 : memref<4096xi32, #tpu.memory_space<vmem>>)
      %dma_wait3A_72 = arith.constant 0 : i32
      %dma_wait3A_73 = tpu.memref_slice %arg4[%add3A, %dma_wait3A_72] : memref<26x16384xf32, #tpu.memory_space<hbm>> -> memref<1x4096xf32, #tpu.memory_space<hbm>>
      %dma_wait3A_74 = tpu.memref_squeeze %dma_wait3A_73 : memref<1x4096xf32, #tpu.memory_space<hbm>> -> memref<4096xf32, #tpu.memory_space<hbm>>
      %dma_wait3A_75 = arith.constant 0 : i32
      %dma_wait3A_76 = tpu.memref_slice %arg4[%add3A, %dma_wait3A_75] : memref<26x16384xf32, #tpu.memory_space<hbm>> -> memref<1x4096xf32, #tpu.memory_space<hbm>>
      %dma_wait3A_77 = tpu.memref_squeeze %dma_wait3A_76 : memref<1x4096xf32, #tpu.memory_space<hbm>> -> memref<4096xf32, #tpu.memory_space<hbm>>
      tpu.wait_dma2 semaphore(%arg17 : memref<!tpu.dma_semaphore, #tpu.memory_space<semaphore_mem>>) src(%arg10 : memref<4096xf32, #tpu.memory_space<vmem>>) dst(%dma_wait3A_77 : memref<4096xf32, #tpu.memory_space<hbm>>)
      %parallel_loop3A_78 = arith.constant 0 : i32
      %parallel_loop3A_79 = arith.constant 4096 : i32
      %parallel_loop3A_80 = arith.constant 16 : i32
      scf.for %parallel_loop3A_120 = %parallel_loop3A_78 to %parallel_loop3A_79 step %parallel_loop3A_80  : i32 {
        %parallel_loop3A_121 = arith.index_cast %parallel_loop3A_120 : i32 to index
        %parallel_loop3A_122 = tpu.vector_load %arg8[%parallel_loop3A_121] {strides = array<i32>} : memref<4096xi32, #tpu.memory_space<vmem>>, vector<16xi32>,
        %parallel_loop3A_123 = tpu.vector_load_idx %arg5[%parallel_loop3A_122] : memref<100000xf32, #tpu.memory_space<vmem>>[vector<16xi32>], vector<16xf32>,
        %parallel_loop3A_124 = arith.index_cast %parallel_loop3A_120 : i32 to index
        %parallel_loop3A_125 = tpu.vector_load %arg10[%parallel_loop3A_124] {strides = array<i32>} : memref<4096xf32, #tpu.memory_space<vmem>>, vector<16xf32>,
        tpu.vector_store %arg10[%parallel_loop3A_124], %parallel_loop3A_123 {strides = array<i32>} : memref<4096xf32, #tpu.memory_space<vmem>>, vector<16xf32>,
      } {sc.loop_unroll_factor = 8 : i64, sc.parallel_access}
      %dma_start3A_81 = arith.constant 8192 : i32
      %dma_start3A_82 = tpu.memref_slice %arg4[%add3A, %dma_start3A_81] : memref<26x16384xf32, #tpu.memory_space<hbm>> -> memref<1x4096xf32, #tpu.memory_space<hbm>>
      %dma_start3A_83 = tpu.memref_squeeze %dma_start3A_82 : memref<1x4096xf32, #tpu.memory_space<hbm>> -> memref<4096xf32, #tpu.memory_space<hbm>>
      %dma_start3A_84 = arith.constant 8192 : i32
      %dma_start3A_85 = tpu.memref_slice %arg4[%add3A, %dma_start3A_84] : memref<26x16384xf32, #tpu.memory_space<hbm>> -> memref<1x4096xf32, #tpu.memory_space<hbm>>
      %dma_start3A_86 = tpu.memref_squeeze %dma_start3A_85 : memref<1x4096xf32, #tpu.memory_space<hbm>> -> memref<4096xf32, #tpu.memory_space<hbm>>
      tpu.enqueue_dma source(%arg10 : memref<4096xf32, #tpu.memory_space<vmem>>) target(%dma_start3A_86 : memref<4096xf32, #tpu.memory_space<hbm>>) target_semaphore(%arg17 : memref<!tpu.dma_semaphore, #tpu.memory_space<semaphore_mem>>)
      %dma_wait3A_87 = arith.constant 12288 : i32
      %dma_wait3A_88 = tpu.memref_slice %arg3[%add3A, %dma_wait3A_87] : memref<26x16384xi32, #tpu.memory_space<hbm>> -> memref<1x4096xi32, #tpu.memory_space<hbm>>
      %dma_wait3A_89 = tpu.memref_squeeze %dma_wait3A_88 : memref<1x4096xi32, #tpu.memory_space<hbm>> -> memref<4096xi32, #tpu.memory_space<hbm>>
      %dma_wait3A_90 = arith.constant 12288 : i32
      %dma_wait3A_91 = tpu.memref_slice %arg3[%add3A, %dma_wait3A_90] : memref<26x16384xi32, #tpu.memory_space<hbm>> -> memref<1x4096xi32, #tpu.memory_space<hbm>>
      %dma_wait3A_92 = tpu.memref_squeeze %dma_wait3A_91 : memref<1x4096xi32, #tpu.memory_space<hbm>> -> memref<4096xi32, #tpu.memory_space<hbm>>
      tpu.wait_dma2 semaphore(%arg16 : memref<!tpu.dma_semaphore, #tpu.memory_space<semaphore_mem>>) src(%dma_wait3A_92 : memref<4096xi32, #tpu.memory_space<hbm>>) dst(%arg9 : memref<4096xi32, #tpu.memory_space<vmem>>)
      %dma_wait3A_93 = arith.constant 4096 : i32
      %dma_wait3A_94 = tpu.memref_slice %arg4[%add3A, %dma_wait3A_93] : memref<26x16384xf32, #tpu.memory_space<hbm>> -> memref<1x4096xf32, #tpu.memory_space<hbm>>
      %dma_wait3A_95 = tpu.memref_squeeze %dma_wait3A_94 : memref<1x4096xf32, #tpu.memory_space<hbm>> -> memref<4096xf32, #tpu.memory_space<hbm>>
      %dma_wait3A_96 = arith.constant 4096 : i32
      %dma_wait3A_97 = tpu.memref_slice %arg4[%add3A, %dma_wait3A_96] : memref<26x16384xf32, #tpu.memory_space<hbm>> -> memref<1x4096xf32, #tpu.memory_space<hbm>>
      %dma_wait3A_98 = tpu.memref_squeeze %dma_wait3A_97 : memref<1x4096xf32, #tpu.memory_space<hbm>> -> memref<4096xf32, #tpu.memory_space<hbm>>
      tpu.wait_dma2 semaphore(%arg18 : memref<!tpu.dma_semaphore, #tpu.memory_space<semaphore_mem>>) src(%arg11 : memref<4096xf32, #tpu.memory_space<vmem>>) dst(%dma_wait3A_98 : memref<4096xf32, #tpu.memory_space<hbm>>)
      %parallel_loop3A_99 = arith.constant 0 : i32
      %parallel_loop3A_100 = arith.constant 4096 : i32
      %parallel_loop3A_101 = arith.constant 16 : i32
      scf.for %parallel_loop3A_120 = %parallel_loop3A_99 to %parallel_loop3A_100 step %parallel_loop3A_101  : i32 {
        %parallel_loop3A_121 = arith.index_cast %parallel_loop3A_120 : i32 to index
        %parallel_loop3A_122 = tpu.vector_load %arg9[%parallel_loop3A_121] {strides = array<i32>} : memref<4096xi32, #tpu.memory_space<vmem>>, vector<16xi32>,
        %parallel_loop3A_123 = tpu.vector_load_idx %arg5[%parallel_loop3A_122] : memref<100000xf32, #tpu.memory_space<vmem>>[vector<16xi32>], vector<16xf32>,
        %parallel_loop3A_124 = arith.index_cast %parallel_loop3A_120 : i32 to index
        %parallel_loop3A_125 = tpu.vector_load %arg11[%parallel_loop3A_124] {strides = array<i32>} : memref<4096xf32, #tpu.memory_space<vmem>>, vector<16xf32>,
        tpu.vector_store %arg11[%parallel_loop3A_124], %parallel_loop3A_123 {strides = array<i32>} : memref<4096xf32, #tpu.memory_space<vmem>>, vector<16xf32>,
      } {sc.loop_unroll_factor = 8 : i64, sc.parallel_access}
      %dma_start3A_102 = arith.constant 12288 : i32
      %dma_start3A_103 = tpu.memref_slice %arg4[%add3A, %dma_start3A_102] : memref<26x16384xf32, #tpu.memory_space<hbm>> -> memref<1x4096xf32, #tpu.memory_space<hbm>>
      %dma_start3A_104 = tpu.memref_squeeze %dma_start3A_103 : memref<1x4096xf32, #tpu.memory_space<hbm>> -> memref<4096xf32, #tpu.memory_space<hbm>>
      %dma_start3A_105 = arith.constant 12288 : i32
      %dma_start3A_106 = tpu.memref_slice %arg4[%add3A, %dma_start3A_105] : memref<26x16384xf32, #tpu.memory_space<hbm>> -> memref<1x4096xf32, #tpu.memory_space<hbm>>
      %dma_start3A_107 = tpu.memref_squeeze %dma_start3A_106 : memref<1x4096xf32, #tpu.memory_space<hbm>> -> memref<4096xf32, #tpu.memory_space<hbm>>
      tpu.enqueue_dma source(%arg11 : memref<4096xf32, #tpu.memory_space<vmem>>) target(%dma_start3A_107 : memref<4096xf32, #tpu.memory_space<hbm>>) target_semaphore(%arg18 : memref<!tpu.dma_semaphore, #tpu.memory_space<semaphore_mem>>)
      %dma_wait3A_108 = arith.constant 8192 : i32
      %dma_wait3A_109 = tpu.memref_slice %arg4[%add3A, %dma_wait3A_108] : memref<26x16384xf32, #tpu.memory_space<hbm>> -> memref<1x4096xf32, #tpu.memory_space<hbm>>
      %dma_wait3A_110 = tpu.memref_squeeze %dma_wait3A_109 : memref<1x4096xf32, #tpu.memory_space<hbm>> -> memref<4096xf32, #tpu.memory_space<hbm>>
      %dma_wait3A_111 = arith.constant 8192 : i32
      %dma_wait3A_112 = tpu.memref_slice %arg4[%add3A, %dma_wait3A_111] : memref<26x16384xf32, #tpu.memory_space<hbm>> -> memref<1x4096xf32, #tpu.memory_space<hbm>>
      %dma_wait3A_113 = tpu.memref_squeeze %dma_wait3A_112 : memref<1x4096xf32, #tpu.memory_space<hbm>> -> memref<4096xf32, #tpu.memory_space<hbm>>
      tpu.wait_dma2 semaphore(%arg17 : memref<!tpu.dma_semaphore, #tpu.memory_space<semaphore_mem>>) src(%arg10 : memref<4096xf32, #tpu.memory_space<vmem>>) dst(%dma_wait3A_113 : memref<4096xf32, #tpu.memory_space<hbm>>)
      %dma_wait3A_114 = arith.constant 12288 : i32
      %dma_wait3A_115 = tpu.memref_slice %arg4[%add3A, %dma_wait3A_114] : memref<26x16384xf32, #tpu.memory_space<hbm>> -> memref<1x4096xf32, #tpu.memory_space<hbm>>
      %dma_wait3A_116 = tpu.memref_squeeze %dma_wait3A_115 : memref<1x4096xf32, #tpu.memory_space<hbm>> -> memref<4096xf32, #tpu.memory_space<hbm>>
      %dma_wait3A_117 = arith.constant 12288 : i32
      %dma_wait3A_118 = tpu.memref_slice %arg4[%add3A, %dma_wait3A_117] : memref<26x16384xf32, #tpu.memory_space<hbm>> -> memref<1x4096xf32, #tpu.memory_space<hbm>>
      %dma_wait3A_119 = tpu.memref_squeeze %dma_wait3A_118 : memref<1x4096xf32, #tpu.memory_space<hbm>> -> memref<4096xf32, #tpu.memory_space<hbm>>
      tpu.wait_dma2 semaphore(%arg18 : memref<!tpu.dma_semaphore, #tpu.memory_space<semaphore_mem>>) src(%arg11 : memref<4096xf32, #tpu.memory_space<vmem>>) dst(%dma_wait3A_119 : memref<4096xf32, #tpu.memory_space<hbm>>)
    } else {
    }
    return
  }
}

module attributes {stable_mosaic.version = 14 : i64} {
  func.func @_tc_sum_body(%arg0: i32, %arg1: memref<26x25088xf32, #tpu.memory_space<vmem>>, %arg2: memref<26x128xf32, #tpu.memory_space<vmem>>) attributes {dimension_semantics = [#tpu.dimension_semantics<arbitrary>], iteration_bounds = array<i64: 4>, scalar_prefetch = 0 : i64, scratch_operands = 0 : i64, tpu.core_type = #tpu.core_type<tc>, window_params = [{transform_indices = @transform_0, window_bounds = array<i64: 26, 25088>}, {pipeline_mode = #tpu.pipeline_mode<synchronous>, transform_indices = @transform_1, window_bounds = array<i64: 26, 128>}]} {
    %eq3A = arith.constant 0 : i32
    %eq3A_0 = arith.cmpi eq, %arg0, %eq3A : i32
    %convert_element_type3A = arith.extui %eq3A_0 : i1 to i32
    %cond3A = arith.constant 0 : i32
    %cond3A_1 = arith.cmpi ne, %convert_element_type3A, %cond3A : i32
    scf.if %cond3A_1 {
      %broadcast_in_dim3A_23 = arith.constant 0.000000e+00 : f32
      %broadcast_in_dim3A_24 = vector.broadcast %broadcast_in_dim3A_23 : f32 to vector<26x128xf32>
      %swap3A_25 = arith.constant 0 : index
      %swap3A_26 = arith.constant 0 : index
      %swap3A_27 = vector.load %arg2[%swap3A_25, %swap3A_26] : memref<26x128xf32, #tpu.memory_space<vmem>>, vector<26x128xf32>
      tpu.vector_store %arg2[%swap3A_25, %swap3A_26], %broadcast_in_dim3A_24 {strides = array<i32>} : memref<26x128xf32, #tpu.memory_space<vmem>>, vector<26x128xf32>,
    } else {
    }
    %get3A = arith.constant 0 : index
    %get3A_2 = arith.constant 0 : index
    %get3A_3 = vector.load %arg1[%get3A, %get3A_2] : memref<26x25088xf32, #tpu.memory_space<vmem>>, vector<26x25088xf32>
    %mul3A = arith.constant 25088 : i32
    %mul3A_4 = arith.muli %arg0, %mul3A : i32
    %iota3A = tpu.iota {dimensions = array<i32: 1>} : vector<26x25088xi32>
    %add3A = vector.broadcast %mul3A_4 : i32 to vector<26x25088xi32>
    %add3A_5 = arith.addi %add3A, %iota3A : vector<26x25088xi32>
    %lt3A = arith.constant 100000 : i32
    %lt3A_6 = vector.broadcast %lt3A : i32 to vector<26x25088xi32>
    %lt3A_7 = arith.cmpi slt, %add3A_5, %lt3A_6 : vector<26x25088xi32>
    %logistic3A = arith.negf %get3A_3 : vector<26x25088xf32>
    %logistic3A_8 = math.exp %logistic3A : vector<26x25088xf32>
    %logistic3A_9 = arith.constant 1.000000e+00 : f32
    %logistic3A_10 = vector.broadcast %logistic3A_9 : f32 to vector<26x25088xf32>
    %logistic3A_11 = arith.addf %logistic3A_10, %logistic3A_8 : vector<26x25088xf32>
    %logistic3A_12 = arith.divf %logistic3A_10, %logistic3A_11 : vector<26x25088xf32>
    %jit3A = arith.constant 0.000000e+00 : f32
    %broadcast_in_dim3A = vector.broadcast %jit3A : f32 to vector<26x25088xf32>
    %select_n3A = arith.select %lt3A_7, %logistic3A_12, %broadcast_in_dim3A : vector<26x25088xi1>, vector<26x25088xf32>
    %reduce_sum3A = arith.constant dense<0.000000e+00> : vector<26xf32>
    %reduce_sum3A_13 = vector.multi_reduction <add>, %select_n3A, %reduce_sum3A [1] : vector<26x25088xf32> to vector<26xf32>
    %broadcast_in_dim3A_14 = vector.shape_cast %reduce_sum3A_13 : vector<26xf32> to vector<26x1xf32>
    %get3A_15 = arith.constant 0 : index
    %get3A_16 = arith.constant 0 : index
    %get3A_17 = vector.load %arg2[%get3A_15, %get3A_16] : memref<26x128xf32, #tpu.memory_space<vmem>>, vector<26x128xf32>
    %broadcast_in_dim3A_18 = vector.shape_cast %broadcast_in_dim3A_14 : vector<26x1xf32> to vector<26x1xf32>
    %broadcast_in_dim3A_19 = vector.broadcast %broadcast_in_dim3A_18 : vector<26x1xf32> to vector<26x128xf32>
    %add3A_20 = arith.addf %get3A_17, %broadcast_in_dim3A_19 : vector<26x128xf32>
    %swap3A = arith.constant 0 : index
    %swap3A_21 = arith.constant 0 : index
    %swap3A_22 = vector.load %arg2[%swap3A, %swap3A_21] : memref<26x128xf32, #tpu.memory_space<vmem>>, vector<26x128xf32>
    tpu.vector_store %arg2[%swap3A, %swap3A_21], %add3A_20 {strides = array<i32>} : memref<26x128xf32, #tpu.memory_space<vmem>>, vector<26x128xf32>,
    return
  }
  func.func @transform_0(%arg0: i32) -> (i32, i32) {
    %c0_i32 = arith.constant 0 : i32
    %c0_i32_0 = arith.constant 0 : i32
    return %c0_i32, %arg0 : i32, i32
  }
  func.func @transform_1(%arg0: i32) -> (i32, i32) {
    %c0_i32 = arith.constant 0 : i32
    %c0_i32_0 = arith.constant 0 : i32
    %c0_i32_1 = arith.constant 0 : i32
    return %c0_i32, %c0_i32_0 : i32, i32
  }
}

module attributes {stable_mosaic.version = 14 : i64} {
  func.func @_tc_finish_body(%arg0: memref<26x16384xf32, #tpu.memory_space<vmem>>, %arg1: memref<26x128xf32, #tpu.memory_space<vmem>>, %arg2: memref<26x16384xf32, #tpu.memory_space<vmem>>) attributes {dimension_semantics = [], scalar_prefetch = 0 : i64, scratch_operands = 0 : i64, tpu.core_type = #tpu.core_type<tc>} {
    %get3A = arith.constant 0 : index
    %get3A_0 = arith.constant 0 : index
    %get3A_1 = vector.load %arg1[%get3A, %get3A_0] : memref<26x128xf32, #tpu.memory_space<vmem>>, vector<26x1xf32>
    %get3A_2 = arith.constant 0 : index
    %get3A_3 = arith.constant 0 : index
    %get3A_4 = vector.load %arg0[%get3A_2, %get3A_3] : memref<26x16384xf32, #tpu.memory_space<vmem>>, vector<26x16384xf32>
    %logistic3A = arith.negf %get3A_4 : vector<26x16384xf32>
    %logistic3A_5 = math.exp %logistic3A : vector<26x16384xf32>
    %logistic3A_6 = arith.constant 1.000000e+00 : f32
    %logistic3A_7 = vector.broadcast %logistic3A_6 : f32 to vector<26x16384xf32>
    %logistic3A_8 = arith.addf %logistic3A_7, %logistic3A_5 : vector<26x16384xf32>
    %logistic3A_9 = arith.divf %logistic3A_7, %logistic3A_8 : vector<26x16384xf32>
    %div3A = vector.broadcast %get3A_1 : vector<26x1xf32> to vector<26x16384xf32>
    %div3A_10 = arith.divf %logistic3A_9, %div3A : vector<26x16384xf32>
    %log3A = math.log %div3A_10 : vector<26x16384xf32>
    %swap3A = arith.constant 0 : index
    %swap3A_11 = arith.constant 0 : index
    %swap3A_12 = vector.load %arg2[%swap3A, %swap3A_11] : memref<26x16384xf32, #tpu.memory_space<vmem>>, vector<26x16384xf32>
    tpu.vector_store %arg2[%swap3A, %swap3A_11], %log3A {strides = array<i32>} : memref<26x16384xf32, #tpu.memory_space<vmem>>, vector<26x16384xf32>,
    return
  }
}

</mosaic_0001>

<sc_bundles>
// kernel: kernel.5.cloned.1.call-start
scs
__scs_entry_jumppad:
0x0: {  	(pc) =	sbr.rel $0x88, $3  }
0x1: {  	(tag) =	ssettag $0x0;
	lr =	simm.s32 $0x1  }
0x2: {  	[smem:$0x3F9F] =	sst lr;
	_ =	strace $0xD0000000  }
0x3: {  	_ = 	snop  }
0x4: {  	_ = 	snop  }
0x5: {  	_ = 	snop  }
0x6: {  	_ = 	snop  }
0x7: {  	_ = 	snop  }
__scs_overlays_trampoline_lowered:
0x8: {  	[smem:$0x3FAE] =	sst s0  }
0x9: {  	[smem:$0x3FAF] =	sst s1  }
0xa: {  	[smem:$0x3FB0] =	sst s2  }
0xb: {  	[smem:$0x3FB1] =	sst s3  }
0xc: {  	[smem:$0x3FB2] =	sst s4  }
0xd: {  	[smem:$0x3FB3] =	sst s5  }
0xe: {  	[smem:$0x3FB4] =	sst s6  }
0xf: {  	[smem:$0x3FB5] =	sst s7  }
0x10: {  	[smem:$0x3FB6] =	sst s8  }
0x11: {  	[smem:$0x3FB7] =	sst s9;
	s0 =	simm.s32 @!p0 $0x0  }
0x12: {  	s1 =	sld [smem:$0x3F9D];
	s0 =	simm.s32 @p0 $0x1  }
0x13: {  	[smem:$0x3FB8] =	sst s0;
	s0 =	simm.s32 @!p1 $0x0  }
0x14: {  	s2 =	sld [smem:$0x3F9C];
	s0 =	simm.s32 @p1 $0x1  }
0x15: {  	[smem:$0x3FB9] =	sst s0;
	s0 =	simm.s32 @!p2 $0x0  }
0x16: {  	s3 =	sld [smem:$0x3FDB];
	s0 =	simm.s32 @p2 $0x1  }
0x17: {  	s4 =	simm.s32 $0x1BF5;
	[smem:$0x3FBB] =	sst s0  }
0x18: {  	s0 =	sld [smem:$0x3F9E];
	_ =	swait.ge [sflag:s4], $0x0  }
0x19: {  	s7 =	sld [smem:$0x3F9F]  }
0x1a: {  	s8 =	sadd.s32 $0xFFFFE003, lr  }
0x1b: {  	s9 =	sadd.s32 $0xFFFFFEF7, lr;
	s5 =	simm.s32 $0xFFFFFFFF;
	p2 =	slt.u32 s8, $0xFFFFF086  }
0x1c: {  	p1 =	slt.u32 s9, $0xF7A;
	s5 =	simm.s32 @!p2 $0x0  }
0x1d: {  	s5 =	simm.s32 @p1 $0x1;
	p0 =	seq.s32 s7, s2  }
0x1e: {  	s7 =	smul.u32 @!p0 $0xF7A, s2;
	p2 =	seq.s32 @!p0 s5, $0x0  }
0x1f: {  	s9 =	smul.u32 $0xF7A, s1;
	s8 =	simm.s32 @!p0 $0x1BF5;
	p2 =	por !p2, p0  }
0x20: {  	[sflag:s8] =	ssyncset.s32 @!p0 $0xFFFFF086;
	s6 =	sadd.s32 @!p0 s3, s7;
	s7 =	simm.s32 @!p0 $0x108  }
0x21: {  	s3 =	sadd.s32 s3, s9;
	s6 =	sadd.s32 @!p0 $0x88, s6;
	s7 =	simm.s32 @p2 $0x1082  }
0x22: {  	[simem:s7], [sflag:s8] =	dma.local @!p0 [hbm:s6], $0xF7A  }
0x23: {  	s9 =	sor.u32 $0xD0000000, s2;
	s6 =	simm.s32 $0x108;
	_ =	swait.ge @!p0 [sflag:s8], $0x0  }
0x24: {  	s3 =	sadd.s32 $0x88, s3;
	s6 =	simm.s32 @!p1 $0x1082;
	[sflag:s4] =	ssyncset.s32 $0xFFFFF086  }
0x25: {  	[simem:s6], [sflag:s4] =	dma.local [hbm:s3], $0xF7A  }
0x26: {  	[smem:$0x3F9F] =	sst s1;
	(tag) =	ssettag s2;
	_ =	strace s9  }
0x27: {  	s1 =	sld [smem:$0x3FAF]  }
0x28: {  	s2 =	sld [smem:$0x3FB0]  }
0x29: {  	s4 =	sld [smem:$0x3FB2]  }
0x2a: {  	p0 =	seq.s32 s5, $0x0;
	s5 =	sld [smem:$0x3FB3]  }
0x2b: {  	s6 =	sld [smem:$0x3FB4]  }
0x2c: {  	s7 =	sld [smem:$0x3FB5]  }
0x2d: {  	s3 =	simm.s32 $0x108;
	s8 =	sld [smem:$0x3FB6]  }
0x2e: {  	s3 =	simm.s32 @!p0 $0x1082;
	s9 =	sld [smem:$0x3FB7]  }
0x2f: {  	lr =	sadd.s32 s0, s3;
	s0 =	sld [smem:$0x3FAE]  }
0x30: {  	s3 =	sld [smem:$0x3FB1]  }
0x31: {  	[smem:$0x3FBA] =	sst s10  }
0x32: {  	s10 =	sld [smem:$0x3FB8];
	_ =	sdelay $0x3  }
0x33: {  	p0 =	seq.s32 s10, $0x1;
	s10 =	sld [smem:$0x3FBA];
	_ =	sdelay $0x3  }
0x34: {  	[smem:$0x3FBA] =	sst s10  }
0x35: {  	s10 =	sld [smem:$0x3FB9];
	_ =	sdelay $0x3  }
0x36: {  	p1 =	seq.s32 s10, $0x1;
	s10 =	sld [smem:$0x3FBA];
	_ =	sdelay $0x3  }
0x37: {  	[smem:$0x3FBA] =	sst s10  }
0x38: {  	s10 =	sld [smem:$0x3FBB]  }
0x39: {  	_ = 	snop;
	(pc) =	sbr.ind lr, $3  }
0x3a: {  	_ = 	snop  }
0x3b: {  	_ = 	snop  }
0x3c: {  	p2 =	seq.s32 s10, $0x1;
	s10 =	sld [smem:$0x3FBA]  }
0x3d: {  	_ =	shalt  }
0x3e: {  	_ =	shalt  }
0x3f: {  	_ =	shalt  }
0x40: {  	_ =	shalt  }
0x41: {  	_ =	shalt  }
0x42: {  	_ =	shalt  }
0x43: {  	_ =	shalt  }
0x44: {  	_ =	shalt  }
0x45: {  	_ =	shalt  }
0x46: {  	_ =	shalt  }
0x47: {  	_ =	shalt  }
0x48: {  	_ =	shalt  }
0x49: {  	_ =	shalt  }
0x4a: {  	_ =	shalt  }
0x4b: {  	_ =	shalt  }
0x4c: {  	_ =	shalt  }
0x4d: {  	_ =	shalt  }
0x4e: {  	_ =	shalt  }
0x4f: {  	_ =	shalt  }
0x50: {  	_ =	shalt  }
0x51: {  	_ =	shalt  }
0x52: {  	_ =	shalt  }
0x53: {  	_ =	shalt  }
0x54: {  	_ =	shalt  }
0x55: {  	_ =	shalt  }
0x56: {  	_ =	shalt  }
0x57: {  	_ =	shalt  }
0x58: {  	_ =	shalt  }
0x59: {  	_ =	shalt  }
0x5a: {  	_ =	shalt  }
0x5b: {  	_ =	shalt  }
0x5c: {  	_ =	shalt  }
0x5d: {  	_ =	shalt  }
0x5e: {  	_ =	shalt  }
0x5f: {  	_ =	shalt  }
0x60: {  	_ =	shalt  }
0x61: {  	_ =	shalt  }
0x62: {  	_ =	shalt  }
0x63: {  	_ =	shalt  }
0x64: {  	_ =	shalt  }
0x65: {  	_ =	shalt  }
0x66: {  	_ =	shalt  }
0x67: {  	_ =	shalt  }
0x68: {  	_ =	shalt  }
0x69: {  	_ =	shalt  }
0x6a: {  	_ =	shalt  }
0x6b: {  	_ =	shalt  }
0x6c: {  	_ =	shalt  }
0x6d: {  	_ =	shalt  }
0x6e: {  	_ =	shalt  }
0x6f: {  	_ =	shalt  }
0x70: {  	_ =	shalt  }
0x71: {  	_ =	shalt  }
0x72: {  	_ =	shalt  }
0x73: {  	_ =	shalt  }
0x74: {  	_ =	shalt  }
0x75: {  	_ =	shalt  }
0x76: {  	_ =	shalt  }
0x77: {  	_ =	shalt  }
0x78: {  	_ =	shalt  }
0x79: {  	_ =	shalt  }
0x7a: {  	_ =	shalt  }
0x7b: {  	_ =	shalt  }
0x7c: {  	_ =	shalt  }
0x7d: {  	_ =	shalt  }
0x7e: {  	_ =	shalt  }
0x7f: {  	_ =	shalt  }
0x80: {  	_ =	shalt  }
0x81: {  	_ =	shalt  }
0x82: {  	_ =	shalt  }
0x83: {  	_ =	shalt  }
0x84: {  	_ =	shalt  }
0x85: {  	_ =	shalt  }
0x86: {  	_ =	shalt  }
0x87: {  	_ =	shalt  }
.Lfunc_end0:
.L_simem_size_0:
called_computation_lowered:
.L_overlay_start_0:
0x88: {  	s2 =	sld [smem:$0x3FD9]  }
0x89: {  	s3 =	sld [smem:$0x3FFE];
	_ =	sdelay $0x1  }
0x8a: {  	s1 =	srdreg.scid  }
0x8b: {  	s0 =	sand.u32 $0x1, s1  }
0x8c: {  	s18 =	sshll.u32 s0, $0xA;
	s2 =	sadd.s32 s3, s2  }
0x8d: {  	s2 =	sadd.s32 s2, s18  }
0x8e: {  	[smem:$0x3FC6] =	sst s2  }
0x8f: {  	_ = 	snop  }
0x90: {  	s2 =	sld [smem:$0x3FC9]  }
0x91: {  	s19 =	sld [smem:$0x3FC8]  }
0x92: {  	s4 =	sld [smem:$0x3FD0];
	(tm) =	ssettm $0x1  }
0x93: {  	s5 =	sld [smem:$0x3FFB];
	_ =	sdelay $0x3  }
0x94: {  	_ =	strace s5  }
0x95: {  	s5 =	sld [smem:$0x3FFC];
	_ =	sdelay $0x3  }
0x96: {  	_ =	strace s5  }
0x97: {  	s5 =	sld [smem:$0x3FFD];
	_ =	sdelay $0x3  }
0x98: {  	_ =	strace s5  }
0x99: {  	_ =	strace $0x8FFFFFFF  }
0x9a: {  	s20 =	sld [smem:$0x3FDB];
	_ =	sdelay $0x1  }
0x9b: {  	s6 =	simm.s32 $_scs_section_size  }
0x9c: {  	s7 =	simm.s32 $_size__tile_overlayer_lowered;
	s8 =	simm.s32 $_tile_overlayer_lowered  }
0x9d: {  	s23 =	simm.s32 $0x1BFF;
	s22 =	sshll.u32 s8, $0x1;
	s5 =	sadd.s32 s6, s20  }
0x9e: {  	s9 =	simm.s32 $0x0;
	s21 =	sshll.u32 s7, $0x1;
	s7 =	sadd.s32 s22, s5  }
0x9f: {  	[timem:s9], [sflag:s23] =	dma.local [hbm:s7], s21  }
0xa0: {  	_ =	swait.ge [sflag:s23], s21  }
0xa1: {  	s6 =	ssub.s32 $0x0, s21;
	[sflag:s23] =	ssyncset.done $0x0  }
0xa2: {  	[sflag:s23] =	ssyncadd.s32 s6;
	_ =	sdelay $0x1  }
0xa3: {  	s24 =	simm.s32 $0x1B8B  }
0xa4: {  	_ =	swait.ge [sflag:s24], $0x1  }
0xa5: {  	[sflag:s24] =	ssyncset.done $0x0  }
0xa6: {  	s25 =	simm.s32 $0x1B8E;
	[sflag:s24] =	ssyncadd.s32 $0xFFFFFFFF  }
0xa7: {  	s26 =	simm.s32 $execute0_lowered;
	[smem:$0x3FD2] =	sst s25  }
0xa8: {  	s6 =	sshll.u32 s26, $0x1;
	_ =	strace $0x80000046;
	[dreg:$0x1] =	wrdreg $0xFFFFFFFF  }
0xa9: {  	s28 =	simm.s32 $_size_execute0_lowered;
	s5 =	sadd.s32 s5, s6;
	[dreg:$0x0] =	wrdreg $0x0  }
0xaa: {  	s6 =	sshll.u32 s28, $0x1;
	[dreg:$0x2] =	wrdreg s5  }
0xab: {  	[dreg:$0x3] =	wrdreg s6  }
0xac: {  	[dreg:$0x4] =	wrdreg $0xC0  }
0xad: {  	_ =	task [dreg:s9], $0x5FFFF  }
0xae: {  	[dreg:$0x1] =	wrdreg $0xFFFFFFFF  }
0xaf: {  	[dreg:$0x0] =	wrdreg $0x60  }
0xb0: {  	[dreg:$0x2] =	wrdreg s19  }
0xb1: {  	[dreg:$0x3] =	wrdreg s2  }
0xb2: {  	[dreg:$0x4] =	wrdreg s4  }
0xb3: {  	[dreg:$0x5] =	wrdreg $0x9  }
0xb4: {  	_ =	task.clear_ibuf [dreg:s9], $0x6FFFF;
	_ =	strace $0x90000046  }
0xb5: {  	s29 =	simm.s32 $0x9;
	_ =	strace $0x80000048  }
0xb6: {  	_ =	swait.ge [sflag:s29], $0x1  }
0xb7: {  	[sflag:s29] =	ssyncadd.s32 $0xFFFFFFFF  }
0xb8: {  	_ =	strace $0x90000048  }
0xb9: {  	_ =	sfence  }
0xba: {  	s30 =	sld [smem:$0x0];
	_ =	sdelay $0x2  }
0xbb: {  	s31 =	sshll.u32 s1, $0xD;
	s1 =	sshrl.u32 s1, $0x2  }
0xbc: {  	s3 =	sand.u32 $0x4000, s31;
	s1 =	sadd.s32 s1, s30  }
0xbd: {  	s0 =	sor.u32 s3, s0;
	s1 =	sshll.u32 s1, $0x11  }
0xbe: {  	s0 =	sor.u32 s1, s0  }
0xbf: {  	s0 =	sadd.s32 $0x8F2B, s0  }
0xc0: {  	[sflag:s0] =	ssyncadd.remote.s32 $0x1  }
0xc1: {  	_ =	sfence.sel $0xFFFF  }
0xc2: {  	[dreg:$0x0] =	wrdreg $0xFFFFFFFF;
	(pc) =	sbr.abs _section_cstart, $3  }
0xc3: {  	[dreg:$0x1] =	wrdreg $0xFFFFFFFF  }
0xc4: {  	_ =	task.clear_ibuf [dreg:s9], $0x2FFFF;
	_ =	strace $0x9FFFFFFF  }
0xc5: {  	(tm) =	ssettm $0x7FFFFFFF  }
tec
execute0_lowered:
.L_overlay_start_1:
0x0: {  	(tag) =	ssettag $0x1  }
0x1: {  	s1 =	stileid.u32  }
0x2: {  	p0 =	sgt.u32 s1, $0xC  }
.Ltmp0:
0x3: {  	_ = 	snop;
	(pc) =	sbr.rel @p0 .LBB2_11-.Ltmp0, $4  }
0x4: {  	s0 =	rddreg [dreg:$0x0]  }
0x5: {  	s10 =	rddreg [dreg:$0x1];
	s2 =	simm.s32 $0x0  }
0x6: {  	[smem:$0x7FF] =	sst s2  }
0x7: {  	s6 =	rddreg [dreg:$0x2];
	_ =	strace $0x80000047  }
0x8: {  	s3 =	srdreg.scid;
	s25 =	sshll.u32 s1, $0x8;
	s7 =	sshrl.u32 s1, $0x2  }
0x9: {  	s17 =	simm.s32 $0x1A700;
	s18 =	simm.s32 $0x1B700;
	s19 =	simm.s32 $0x1  }
0xa: {  	s20 =	simm.s32 $0x2;
	s21 =	simm.s32 $0x1C700;
	s22 =	simm.s32 $0x3  }
0xb: {  	s23 =	simm.s32 $0x1D700;
	s24 =	simm.s32 $0x4;
	s28 =	simm.s32 $0x7  }
0xc: {  	s29 =	simm.s32 $0x0;
	s4 =	sand.u32 $0x1, s3;
	s3 =	sand.u32 $0x300, s25  }
0xd: {  	s26 =	sshll.u32 s7, $0x11;
	s5 =	sshll.u32 s4, $0x7;
	s14 =	ssub.s32 $0x2, s4  }
0xe: {  	s16 =	smul.u32 $0xC3800, s7;
	s9 =	sor.u32 s5, s3;
	s15 =	sshrl.u32 s14, $0x1  }
0xf: {  	s25 =	simm.s32 $0x6;
	s3 =	sor.u32 s26, s9;
	s14 =	ssub.s32 s14, s15  }
0x10: {  	s30 =	sor.u32 s16, s9;
	s15 =	simm.s32 $0x18700;
	s16 =	simm.s32 $0x19700  }
0x11: {  	s26 =	simm.s32 $0x5;
	s11 =	sshrl.u32 s3, $0x3;
	s31 =	sshrl.u32 s30, $0x3  }
0x12: {  	s12 =	sor.u32 $0x1000, s11;
	s8 =	sor.u32 $0x2000, s11;
	s13 =	sor.u32 $0x3000, s11  }
0x13: {  	s3 =	sadd.s32 s6, s11;
	s4 =	sadd.s32 s6, s12;
	s5 =	sadd.s32 s6, s8  }
0x14: {  	s6 =	sadd.s32 s6, s13;
	s7 =	sadd.s32 s10, s13;
	s8 =	sadd.s32 s10, s8  }
0x15: {  	s9 =	sadd.s32 s10, s12;
	s10 =	sadd.s32 s10, s11;
	s11 =	sadd.s32 s0, s31  }
0x16: {  	s12 =	smax.u32 s14, $0x1;
	s13 =	simm.s32 $0x80;
	s14 =	simm.s32 $0x400  }
.LBB2_2:
0x17: {  	[tilespmem:s2], [sflag:$0x1] =	stream.strided.gather [hbm4b:s11+s13], $0x18700, s14, s13, $0x38;
	[tilespmem:$0x1E700] =	vst v63  }
0x18: {  	_ = 	snop  }
0x19: {  	[tilespmem:s15], [sflag:$0x2] =	stream.strided.gather [hbm4b:s10+s13], $0x1000, s14, s13, $0x38;
	[tilespmem:$0x1E700] =	vst v63  }
0x1a: {  	_ = 	snop  }
0x1b: {  	[tilespmem:s16], [sflag:$0x3] =	stream.strided.gather [hbm4b:s9+s13], $0x1000, s14, s13, $0x38;
	[tilespmem:$0x1E700] =	vst v63  }
0x1c: {  	_ = 	snop  }
0x1d: {  	[tilespmem:s17], [sflag:$0x4] =	stream.strided.gather [hbm4b:s8+s13], $0x1000, s14, s13, $0x38;
	[tilespmem:$0x1E700] =	vst v63  }
0x1e: {  	_ = 	snop  }
0x1f: {  	[tilespmem:s18], [sflag:$0x5] =	stream.strided.gather [hbm4b:s7+s13], $0x1000, s14, s13, $0x38;
	[tilespmem:$0x1E700] =	vst v63  }
0x20: {  	_ =	swait.ge [sflag:s19], $0x18700  }
0x21: {  	[sflag:s19] =	ssyncset.done $0x0  }
0x22: {  	[sflag:s19] =	ssyncadd.s32 $0xFFFE7900  }
0x23: {  	_ =	swait.ge [sflag:s20], $0x1000  }
0x24: {  	[sflag:s20] =	ssyncset.done $0x0  }
0x25: {  	s0 =	simm.s32 $0x18740;
	[sflag:s20] =	ssyncadd.s32 $0xFFFFF000  }
0x26: {  	v0 =	vld [tilespmem:s0+$0x30]  }
0x27: {  	v1 =	vld [tilespmem:s0+$0xFFFFFFD0]  }
0x28: {  	v2 =	vld [tilespmem:s0+$0xFFFFFFE0]  }
0x29: {  	v3 =	vld [tilespmem:s0+$0xFFFFFFF0]  }
0x2a: {  	v4 =	vld [tilespmem:s0+$0x0]  }
0x2b: {  	v6 =	vld [tilespmem:s0+$0x10]  }
0x2c: {  	v7 =	vld [tilespmem:s0+$0x20]  }
0x2d: {  	v8 =	vld [tilespmem:s0+$0xFFFFFFC0]  }
0x2e: {  	v9 =	vld.idx.msk [tilespmem:v0+s2+$0x0], $0xffff  }
0x2f: {  	v10 =	vld.idx.msk [tilespmem:v1+s2+$0x0], $0xffff  }
0x30: {  	v5 =	vld.idx.msk [tilespmem:v2+s2+$0x0], $0xffff  }
0x31: {  	v3 =	vld.idx.msk [tilespmem:v3+s2+$0x0], $0xffff  }
0x32: {  	v0 =	vld.idx.msk [tilespmem:v4+s2+$0x0], $0xffff  }
0x33: {  	s30 =	simm.s32 $0x1C740;
	v1 =	vld.idx.msk [tilespmem:v6+s2+$0x0], $0xffff  }
0x34: {  	v2 =	vld.idx.msk [tilespmem:v7+s2+$0x0], $0xffff;
	[tilespmem:s30+$0x30] =	vst v9  }
0x35: {  	s31 =	simm.s32 $0x0;
	s0 =	simm.s32 $0x187C0;
	v4 =	vld.idx.msk [tilespmem:v8+s2+$0x0], $0xffff;
	[tilespmem:s30+$0xFFFFFFD0] =	vst v10  }
.LBB2_3:
0x36: {  	v6 =	vld [tilespmem:s0+$0x30];
	s31 =	sadd.s32 $0x80, s31;
	[tilespmem:s30+$0xFFFFFFE0] =	vst v5  }
0x37: {  	v5 =	vld [tilespmem:s0+$0xFFFFFFD0];
	p0 =	slt.u32 s31, $0xF80;
	[tilespmem:s30+$0xFFFFFFF0] =	vst v3  }
0x38: {  	v3 =	vld [tilespmem:s0+$0xFFFFFFE0];
	[tilespmem:s30+$0x0] =	vst v0  }
0x39: {  	v0 =	vld [tilespmem:s0+$0xFFFFFFF0];
	[tilespmem:s30+$0x10] =	vst v1  }
0x3a: {  	v1 =	vld [tilespmem:s0+$0x0];
	[tilespmem:s30+$0x20] =	vst v2  }
0x3b: {  	v2 =	vld [tilespmem:s0+$0x10];
	[tilespmem:s30+$0xFFFFFFC0] =	vst v4  }
0x3c: {  	v4 =	vld [tilespmem:s0+$0x20]  }
0x3d: {  	v7 =	vld [tilespmem:s0+$0xFFFFFFC0]  }
0x3e: {  	v6 =	vld.idx.msk [tilespmem:v6+s2+$0x0], $0xffff  }
0x3f: {  	v8 =	vld.idx.msk [tilespmem:v5+s2+$0x0], $0xffff  }
0x40: {  	v5 =	vld.idx.msk [tilespmem:v3+s2+$0x0], $0xffff  }
.Ltmp1:
0x41: {  	v3 =	vld.idx.msk [tilespmem:v0+s2+$0x0], $0xffff;
	(pc) =	sbr.rel @p0 .LBB2_3-.Ltmp1, $4  }
0x42: {  	v0 =	vld.idx.msk [tilespmem:v1+s2+$0x0], $0xffff  }
0x43: {  	s30 =	sadd.s32 $0x80, s30;
	v1 =	vld.idx.msk [tilespmem:v2+s2+$0x0], $0xffff  }
0x44: {  	v2 =	vld.idx.msk [tilespmem:v4+s2+$0x0], $0xffff;
	[tilespmem:s30+$0x30] =	vst v6  }
0x45: {  	s0 =	sadd.s32 $0x80, s0;
	v4 =	vld.idx.msk [tilespmem:v7+s2+$0x0], $0xffff;
	[tilespmem:s30+$0xFFFFFFD0] =	vst v8  }
0x46: {  	[tilespmem:s30+$0xFFFFFFE0] =	vst v5  }
0x47: {  	[tilespmem:s30+$0xFFFFFFF0] =	vst v3  }
0x48: {  	[tilespmem:s30+$0x0] =	vst v0  }
0x49: {  	[tilespmem:s30+$0x10] =	vst v1  }
0x4a: {  	[tilespmem:s30+$0x20] =	vst v2  }
0x4b: {  	[tilespmem:s30+$0xFFFFFFC0] =	vst v4  }
0x4c: {  	[hbm4b:s3+s13] =	stream.strided.scatter [tilespmem:s21], [sflag:$0x6], $0x1000, s14, s13, $0x38;
	[tilespmem:$0x1E700] =	vst v63  }
0x4d: {  	_ =	swait.ge [sflag:s22], $0x1000  }
0x4e: {  	[sflag:s22] =	ssyncset.done $0x0  }
0x4f: {  	s0 =	simm.s32 $0x19740;
	[sflag:s22] =	ssyncadd.s32 $0xFFFFF000  }
0x50: {  	v0 =	vld [tilespmem:s0+$0x30]  }
0x51: {  	v1 =	vld [tilespmem:s0+$0xFFFFFFD0]  }
0x52: {  	v2 =	vld [tilespmem:s0+$0xFFFFFFE0]  }
0x53: {  	v3 =	vld [tilespmem:s0+$0xFFFFFFF0]  }
0x54: {  	v4 =	vld [tilespmem:s0+$0x0]  }
0x55: {  	v6 =	vld [tilespmem:s0+$0x10]  }
0x56: {  	v7 =	vld [tilespmem:s0+$0x20]  }
0x57: {  	v8 =	vld [tilespmem:s0+$0xFFFFFFC0]  }
0x58: {  	v9 =	vld.idx.msk [tilespmem:v0+s2+$0x0], $0xffff  }
0x59: {  	v10 =	vld.idx.msk [tilespmem:v1+s2+$0x0], $0xffff  }
0x5a: {  	v5 =	vld.idx.msk [tilespmem:v2+s2+$0x0], $0xffff  }
0x5b: {  	v3 =	vld.idx.msk [tilespmem:v3+s2+$0x0], $0xffff  }
0x5c: {  	v0 =	vld.idx.msk [tilespmem:v4+s2+$0x0], $0xffff  }
0x5d: {  	s30 =	simm.s32 $0x1D740;
	v1 =	vld.idx.msk [tilespmem:v6+s2+$0x0], $0xffff  }
0x5e: {  	v2 =	vld.idx.msk [tilespmem:v7+s2+$0x0], $0xffff;
	[tilespmem:s30+$0x30] =	vst v9  }
0x5f: {  	s31 =	simm.s32 $0x0;
	s0 =	simm.s32 $0x197C0;
	v4 =	vld.idx.msk [tilespmem:v8+s2+$0x0], $0xffff;
	[tilespmem:s30+$0xFFFFFFD0] =	vst v10  }
.LBB2_5:
0x60: {  	v6 =	vld [tilespmem:s0+$0x30];
	s31 =	sadd.s32 $0x80, s31;
	[tilespmem:s30+$0xFFFFFFE0] =	vst v5  }
0x61: {  	v5 =	vld [tilespmem:s0+$0xFFFFFFD0];
	p0 =	slt.u32 s31, $0xF80;
	[tilespmem:s30+$0xFFFFFFF0] =	vst v3  }
0x62: {  	v3 =	vld [tilespmem:s0+$0xFFFFFFE0];
	[tilespmem:s30+$0x0] =	vst v0  }
0x63: {  	v0 =	vld [tilespmem:s0+$0xFFFFFFF0];
	[tilespmem:s30+$0x10] =	vst v1  }
0x64: {  	v1 =	vld [tilespmem:s0+$0x0];
	[tilespmem:s30+$0x20] =	vst v2  }
0x65: {  	v2 =	vld [tilespmem:s0+$0x10];
	[tilespmem:s30+$0xFFFFFFC0] =	vst v4  }
0x66: {  	v4 =	vld [tilespmem:s0+$0x20]  }
0x67: {  	v7 =	vld [tilespmem:s0+$0xFFFFFFC0]  }
0x68: {  	v6 =	vld.idx.msk [tilespmem:v6+s2+$0x0], $0xffff  }
0x69: {  	v8 =	vld.idx.msk [tilespmem:v5+s2+$0x0], $0xffff  }
0x6a: {  	v5 =	vld.idx.msk [tilespmem:v3+s2+$0x0], $0xffff  }
.Ltmp2:
0x6b: {  	v3 =	vld.idx.msk [tilespmem:v0+s2+$0x0], $0xffff;
	(pc) =	sbr.rel @p0 .LBB2_5-.Ltmp2, $4  }
0x6c: {  	v0 =	vld.idx.msk [tilespmem:v1+s2+$0x0], $0xffff  }
0x6d: {  	s30 =	sadd.s32 $0x80, s30;
	v1 =	vld.idx.msk [tilespmem:v2+s2+$0x0], $0xffff  }
0x6e: {  	v2 =	vld.idx.msk [tilespmem:v4+s2+$0x0], $0xffff;
	[tilespmem:s30+$0x30] =	vst v6  }
0x6f: {  	s0 =	sadd.s32 $0x80, s0;
	v4 =	vld.idx.msk [tilespmem:v7+s2+$0x0], $0xffff;
	[tilespmem:s30+$0xFFFFFFD0] =	vst v8  }
0x70: {  	[tilespmem:s30+$0xFFFFFFE0] =	vst v5  }
0x71: {  	[tilespmem:s30+$0xFFFFFFF0] =	vst v3  }
0x72: {  	[tilespmem:s30+$0x0] =	vst v0  }
0x73: {  	[tilespmem:s30+$0x10] =	vst v1  }
0x74: {  	[tilespmem:s30+$0x20] =	vst v2  }
0x75: {  	[tilespmem:s30+$0xFFFFFFC0] =	vst v4  }
0x76: {  	[hbm4b:s4+s13] =	stream.strided.scatter [tilespmem:s23], [sflag:$0x7], $0x1000, s14, s13, $0x38;
	[tilespmem:$0x1E700] =	vst v63  }
0x77: {  	_ =	swait.ge [sflag:s24], $0x1000  }
0x78: {  	[sflag:s24] =	ssyncset.done $0x0  }
0x79: {  	[sflag:s24] =	ssyncadd.s32 $0xFFFFF000  }
0x7a: {  	_ =	swait.ge [sflag:s25], $0x1000  }
0x7b: {  	[sflag:s25] =	ssyncset.done $0x0  }
0x7c: {  	s0 =	simm.s32 $0x1A740;
	[sflag:s25] =	ssyncadd.s32 $0xFFFFF000  }
0x7d: {  	v0 =	vld [tilespmem:s0+$0x30]  }
0x7e: {  	v1 =	vld [tilespmem:s0+$0xFFFFFFD0]  }
0x7f: {  	v2 =	vld [tilespmem:s0+$0xFFFFFFE0]  }
0x80: {  	v3 =	vld [tilespmem:s0+$0xFFFFFFF0]  }
0x81: {  	v4 =	vld [tilespmem:s0+$0x0]  }
0x82: {  	v6 =	vld [tilespmem:s0+$0x10]  }
0x83: {  	v7 =	vld [tilespmem:s0+$0x20]  }
0x84: {  	v8 =	vld [tilespmem:s0+$0xFFFFFFC0]  }
0x85: {  	v9 =	vld.idx.msk [tilespmem:v0+s2+$0x0], $0xffff  }
0x86: {  	v10 =	vld.idx.msk [tilespmem:v1+s2+$0x0], $0xffff  }
0x87: {  	v5 =	vld.idx.msk [tilespmem:v2+s2+$0x0], $0xffff  }
0x88: {  	v3 =	vld.idx.msk [tilespmem:v3+s2+$0x0], $0xffff  }
0x89: {  	v0 =	vld.idx.msk [tilespmem:v4+s2+$0x0], $0xffff  }
0x8a: {  	s30 =	simm.s32 $0x1C740;
	v1 =	vld.idx.msk [tilespmem:v6+s2+$0x0], $0xffff  }
0x8b: {  	v2 =	vld.idx.msk [tilespmem:v7+s2+$0x0], $0xffff;
	[tilespmem:s30+$0x30] =	vst v9  }
0x8c: {  	s31 =	simm.s32 $0x0;
	s0 =	simm.s32 $0x1A7C0;
	v4 =	vld.idx.msk [tilespmem:v8+s2+$0x0], $0xffff;
	[tilespmem:s30+$0xFFFFFFD0] =	vst v10  }
.LBB2_7:
0x8d: {  	v6 =	vld [tilespmem:s0+$0x30];
	s31 =	sadd.s32 $0x80, s31;
	[tilespmem:s30+$0xFFFFFFE0] =	vst v5  }
0x8e: {  	v5 =	vld [tilespmem:s0+$0xFFFFFFD0];
	p0 =	slt.u32 s31, $0xF80;
	[tilespmem:s30+$0xFFFFFFF0] =	vst v3  }
0x8f: {  	v3 =	vld [tilespmem:s0+$0xFFFFFFE0];
	[tilespmem:s30+$0x0] =	vst v0  }
0x90: {  	v0 =	vld [tilespmem:s0+$0xFFFFFFF0];
	[tilespmem:s30+$0x10] =	vst v1  }
0x91: {  	v1 =	vld [tilespmem:s0+$0x0];
	[tilespmem:s30+$0x20] =	vst v2  }
0x92: {  	v2 =	vld [tilespmem:s0+$0x10];
	[tilespmem:s30+$0xFFFFFFC0] =	vst v4  }
0x93: {  	v4 =	vld [tilespmem:s0+$0x20]  }
0x94: {  	v7 =	vld [tilespmem:s0+$0xFFFFFFC0]  }
0x95: {  	v6 =	vld.idx.msk [tilespmem:v6+s2+$0x0], $0xffff  }
0x96: {  	v8 =	vld.idx.msk [tilespmem:v5+s2+$0x0], $0xffff  }
0x97: {  	v5 =	vld.idx.msk [tilespmem:v3+s2+$0x0], $0xffff  }
.Ltmp3:
0x98: {  	v3 =	vld.idx.msk [tilespmem:v0+s2+$0x0], $0xffff;
	(pc) =	sbr.rel @p0 .LBB2_7-.Ltmp3, $4  }
0x99: {  	v0 =	vld.idx.msk [tilespmem:v1+s2+$0x0], $0xffff  }
0x9a: {  	s30 =	sadd.s32 $0x80, s30;
	v1 =	vld.idx.msk [tilespmem:v2+s2+$0x0], $0xffff  }
0x9b: {  	v2 =	vld.idx.msk [tilespmem:v4+s2+$0x0], $0xffff;
	[tilespmem:s30+$0x30] =	vst v6  }
0x9c: {  	s0 =	sadd.s32 $0x80, s0;
	v4 =	vld.idx.msk [tilespmem:v7+s2+$0x0], $0xffff;
	[tilespmem:s30+$0xFFFFFFD0] =	vst v8  }
0x9d: {  	[tilespmem:s30+$0xFFFFFFE0] =	vst v5  }
0x9e: {  	[tilespmem:s30+$0xFFFFFFF0] =	vst v3  }
0x9f: {  	[tilespmem:s30+$0x0] =	vst v0  }
0xa0: {  	[tilespmem:s30+$0x10] =	vst v1  }
0xa1: {  	[tilespmem:s30+$0x20] =	vst v2  }
0xa2: {  	[tilespmem:s30+$0xFFFFFFC0] =	vst v4  }
0xa3: {  	[hbm4b:s5+s13] =	stream.strided.scatter [tilespmem:s21], [sflag:$0x6], $0x1000, s14, s13, $0x38;
	[tilespmem:$0x1E700] =	vst v63  }
0xa4: {  	_ =	swait.ge [sflag:s26], $0x1000  }
0xa5: {  	[sflag:s26] =	ssyncset.done $0x0  }
0xa6: {  	[sflag:s26] =	ssyncadd.s32 $0xFFFFF000  }
0xa7: {  	_ =	swait.ge [sflag:s28], $0x1000  }
0xa8: {  	[sflag:s28] =	ssyncset.done $0x0  }
0xa9: {  	s0 =	simm.s32 $0x1B740;
	[sflag:s28] =	ssyncadd.s32 $0xFFFFF000  }
0xaa: {  	v0 =	vld [tilespmem:s0+$0x30]  }
0xab: {  	v1 =	vld [tilespmem:s0+$0xFFFFFFD0]  }
0xac: {  	v2 =	vld [tilespmem:s0+$0xFFFFFFE0]  }
0xad: {  	v3 =	vld [tilespmem:s0+$0xFFFFFFF0]  }
0xae: {  	v4 =	vld [tilespmem:s0+$0x0]  }
0xaf: {  	v6 =	vld [tilespmem:s0+$0x10]  }
0xb0: {  	v7 =	vld [tilespmem:s0+$0x20]  }
0xb1: {  	v8 =	vld [tilespmem:s0+$0xFFFFFFC0]  }
0xb2: {  	v9 =	vld.idx.msk [tilespmem:v0+s2+$0x0], $0xffff  }
0xb3: {  	v10 =	vld.idx.msk [tilespmem:v1+s2+$0x0], $0xffff  }
0xb4: {  	v5 =	vld.idx.msk [tilespmem:v2+s2+$0x0], $0xffff  }
0xb5: {  	v3 =	vld.idx.msk [tilespmem:v3+s2+$0x0], $0xffff  }
0xb6: {  	v0 =	vld.idx.msk [tilespmem:v4+s2+$0x0], $0xffff  }
0xb7: {  	s30 =	simm.s32 $0x1D740;
	v1 =	vld.idx.msk [tilespmem:v6+s2+$0x0], $0xffff  }
0xb8: {  	v2 =	vld.idx.msk [tilespmem:v7+s2+$0x0], $0xffff;
	[tilespmem:s30+$0x30] =	vst v9  }
0xb9: {  	s31 =	simm.s32 $0x0;
	s0 =	simm.s32 $0x1B7C0;
	v4 =	vld.idx.msk [tilespmem:v8+s2+$0x0], $0xffff;
	[tilespmem:s30+$0xFFFFFFD0] =	vst v10  }
.LBB2_9:
0xba: {  	v6 =	vld [tilespmem:s0+$0x30];
	s31 =	sadd.s32 $0x80, s31;
	[tilespmem:s30+$0xFFFFFFE0] =	vst v5  }
0xbb: {  	v5 =	vld [tilespmem:s0+$0xFFFFFFD0];
	p0 =	slt.u32 s31, $0xF80;
	[tilespmem:s30+$0xFFFFFFF0] =	vst v3  }
0xbc: {  	v3 =	vld [tilespmem:s0+$0xFFFFFFE0];
	[tilespmem:s30+$0x0] =	vst v0  }
0xbd: {  	v0 =	vld [tilespmem:s0+$0xFFFFFFF0];
	[tilespmem:s30+$0x10] =	vst v1  }
0xbe: {  	v1 =	vld [tilespmem:s0+$0x0];
	[tilespmem:s30+$0x20] =	vst v2  }
0xbf: {  	v2 =	vld [tilespmem:s0+$0x10];
	[tilespmem:s30+$0xFFFFFFC0] =	vst v4  }
0xc0: {  	v4 =	vld [tilespmem:s0+$0x20]  }
0xc1: {  	v7 =	vld [tilespmem:s0+$0xFFFFFFC0]  }
0xc2: {  	v6 =	vld.idx.msk [tilespmem:v6+s2+$0x0], $0xffff  }
0xc3: {  	v8 =	vld.idx.msk [tilespmem:v5+s2+$0x0], $0xffff  }
0xc4: {  	v5 =	vld.idx.msk [tilespmem:v3+s2+$0x0], $0xffff  }
.Ltmp4:
0xc5: {  	v3 =	vld.idx.msk [tilespmem:v0+s2+$0x0], $0xffff;
	(pc) =	sbr.rel @p0 .LBB2_9-.Ltmp4, $4  }
0xc6: {  	v0 =	vld.idx.msk [tilespmem:v1+s2+$0x0], $0xffff  }
0xc7: {  	s30 =	sadd.s32 $0x80, s30;
	v1 =	vld.idx.msk [tilespmem:v2+s2+$0x0], $0xffff  }
0xc8: {  	v2 =	vld.idx.msk [tilespmem:v4+s2+$0x0], $0xffff;
	[tilespmem:s30+$0x30] =	vst v6  }
0xc9: {  	s0 =	sadd.s32 $0x80, s0;
	v4 =	vld.idx.msk [tilespmem:v7+s2+$0x0], $0xffff;
	[tilespmem:s30+$0xFFFFFFD0] =	vst v8  }
0xca: {  	[tilespmem:s30+$0xFFFFFFE0] =	vst v5  }
0xcb: {  	[tilespmem:s30+$0xFFFFFFF0] =	vst v3  }
0xcc: {  	[tilespmem:s30+$0x0] =	vst v0  }
0xcd: {  	[tilespmem:s30+$0x10] =	vst v1  }
0xce: {  	[tilespmem:s30+$0x20] =	vst v2  }
0xcf: {  	s29 =	sadd.s32 $0x1, s29;
	[tilespmem:s30+$0xFFFFFFC0] =	vst v4  }
0xd0: {  	[hbm4b:s6+s13] =	stream.strided.scatter [tilespmem:s23], [sflag:$0x7], $0x1000, s14, s13, $0x38;
	[tilespmem:$0x1E700] =	vst v63  }
0xd1: {  	p0 =	sne.s32 s29, s12;
	_ =	swait.ge [sflag:s25], $0x1000  }
.Ltmp5:
0xd2: {  	[sflag:s25] =	ssyncset.done $0x0;
	(pc) =	sbr.rel @p0 .LBB2_2-.Ltmp5, $4  }
0xd3: {  	[sflag:s25] =	ssyncadd.s32 $0xFFFFF000  }
0xd4: {  	_ =	swait.ge [sflag:s28], $0x1000  }
0xd5: {  	[sflag:s28] =	ssyncset.done $0x0  }
0xd6: {  	[sflag:s28] =	ssyncadd.s32 $0xFFFFF000  }
.LBB2_11:
0xd7: {  	_ =	sfence.sel $0x180000  }
0xd8: {  	[bflag:$0x0] =	sbarrier.arrive $0xFFFF  }
0xd9: {  	_ =	strace $0x90000047  }
0xda: {  	[bflag:$0x2] =	sbarrier.arrive $0xFFFF  }
0xdb: {  	p0 =	sne.s32 s1, $0x0;
	s0 =	rddreg [dreg:$0x3]  }
0xdc: {  	s0 =	sadd.s32 @!p0 $0x100000, s0  }
0xdd: {  	[sflag:s0] =	ssyncadd.tile.s32 @!p0 $0x1;
	_ =	shalt  }
.Lfunc_end2:
_tile_overlayer_lowered:
.L_overlay_start_2:
0xde: {  	(tag) =	ssettag $0x2  }
0xdf: {  	s0 =	rddreg [dreg:$0x0];
	s2 =	stileid.u32  }
0xe0: {  	s1 =	rddreg [dreg:$0x1];
	p0 =	sne.s32 s2, $0x0  }
0xe1: {  	s3 =	rddreg [dreg:$0x2];
	[bflag:$0x3] =	sbarrier.arrive $0xFFFF;
	s2 =	simm.s32 @!p0 $0x1C08  }
0xe2: {  	[timem:s3], [sflag:s2] =	dma.local @!p0 [hbm:s0], s1  }
0xe3: {  	s0 =	simm.s32 @!p0 $0x8  }
0xe4: {  	_ =	swait.ge @!p0 [sflag:s0], s1  }
0xe5: {  	s1 =	ssub.s32 @!p0 $0x0, s1;
	[sflag:s0] =	ssyncset.done @!p0 $0x0  }
0xe6: {  	[sflag:s0] =	ssyncadd.s32 @!p0 s1  }
0xe7: {  	[bflag:$0x3] =	sbarrier.arrive $0xFFFF  }
0xe8: {  	_ =	shalt  }

</sc_bundles>
